<compile_context>
chip_gen: v7x
topology: tpu7x:2x2x1
jax: 0.10.2.dev20260603
libtpu: 0.0.44.dev20260713+nightly
codegen_flags: <defaults>
</compile_context>

<pallas_src>
import functools

import jax
import jax.numpy as jnp
from jax import lax
from jax.experimental import pallas as pl
from jax.experimental.pallas import tpu as pltpu
from jax.experimental.pallas import tpu_sc as plsc

_L = 16


def _make_sc_mask_kernel(HW, W, bs):
    n_sub = 16
    tslice = HW // n_sub
    pad1 = W * (bs - 1) + _L
    pad2 = W * (bs - 1)
    halo = W * (bs - 1)
    mesh = plsc.VectorSubcoreMesh(core_axis_name="c", subcore_axis_name="s")

    @functools.partial(
        pl.kernel,
        mesh=mesh,
        out_type=jax.ShapeDtypeStruct((HW,), jnp.float32),
        scratch_types=[
            pltpu.VMEM((pad1 + HW,), jnp.float32),
            pltpu.VMEM((pad2 + tslice,), jnp.float32),
            pltpu.VMEM((tslice,), jnp.float32),
            pltpu.VMEM((3 * _L,), jnp.float32),
            pltpu.VMEM((n_sub * _L,), jnp.float32),
            pltpu.VMEM_SHARED((n_sub * _L,), jnp.float32),
        ],
    )
    def sc_mask(seed_hbm, out_hbm, seedp, r1p, bm, tmp, psum, shared):
        cid = lax.axis_index("c")
        sid = lax.axis_index("s")
        sbase = sid * tslice
        zero = jnp.zeros((_L,), jnp.float32)

        def zpad(i, _):
            seedp[pl.ds(i * _L, _L)] = zero
            return 0

        lax.fori_loop(0, pad1 // _L, zpad, 0)

        pltpu.sync_copy(seed_hbm, seedp.at[pl.ds(pad1, HW)])

        def p1(i, _):
            base = i * _L
            wcol = lax.broadcasted_iota(jnp.int32, (_L,), 0) + jnp.full(
                (_L,), base % W, jnp.int32
            )
            src = pad1 + sbase - halo + base
            r = seedp[pl.ds(src, _L)]
            for j in range(1, bs):
                sh = seedp[pl.ds(src - j, _L)]
                keep = wcol >= jnp.full((_L,), j, jnp.int32)
                r = jnp.maximum(r, jnp.where(keep, sh, zero))
            r1p[pl.ds(base, _L)] = r
            return 0

        lax.fori_loop(0, (halo + tslice) // _L, p1, 0)

        one = jnp.ones((_L,), jnp.float32)

        def p2(i, acc):
            base = i * _L
            b = r1p[pl.ds(pad2 + base, _L)]
            for k in range(1, bs):
                b = jnp.maximum(b, r1p[pl.ds(pad2 + base - W * k, _L)])
            bmv = one - b
            bm[pl.ds(base, _L)] = bmv
            return acc + bmv

        acc = lax.fori_loop(0, tslice // _L, p2, jnp.zeros((_L,), jnp.float32))

        psum[pl.ds(0, _L)] = acc
        pltpu.sync_copy(psum.at[pl.ds(0, _L)], shared.at[pl.ds(sid * _L, _L)])
        plsc.subcore_barrier()
        pltpu.sync_copy(shared, psum)

        def psum_red(i, a):
            return a + psum[pl.ds(i * _L, _L)]

        acc = lax.fori_loop(0, n_sub, psum_red, jnp.zeros((_L,), jnp.float32))

        tmp[pl.ds(0, _L)] = zero
        tmp[pl.ds(2 * _L, _L)] = zero
        pre = acc
        for sh in (8, 4, 2, 1):
            tmp[pl.ds(_L, _L)] = pre
            pre = tmp[pl.ds(_L, _L)] + tmp[pl.ds(_L - sh, _L)]
        suf = acc
        for sh in (8, 4, 2, 1):
            tmp[pl.ds(_L, _L)] = suf
            suf = tmp[pl.ds(_L, _L)] + tmp[pl.ds(_L + sh, _L)]
        tot = pre + suf - acc
        scale = jnp.full((_L,), float(HW), jnp.float32) / tot

        half = tslice // 2
        woff = cid * half

        def scl(i, _):
            off = woff + i * _L
            bm[pl.ds(off, _L)] = bm[pl.ds(off, _L)] * scale
            return 0

        lax.fori_loop(0, half // _L, scl, 0)
        pltpu.sync_copy(
            bm.at[pl.ds(woff, half)], out_hbm.at[pl.ds(sbase + woff, half)]
        )

    return sc_mask


def _tc_mul_body(m_ref, x_ref, o_ref, *, HW, S):
    for k in range(S // HW):
        o_ref[pl.ds(k * HW, HW), :] = x_ref[pl.ds(k * HW, HW), :] * m_ref[:]


def kernel(x, block_size, feat_size, drop_rate):
    B, C, H, W = x.shape
    bs = 7
    gamma = drop_rate / (block_size ** 2) * (
        (feat_size ** 2) / ((feat_size - block_size + 1) ** 2)
    )
    mkey = jax.random.fold_in(jax.random.key(0), 1)
    mask = jax.random.bernoulli(mkey, gamma, (H, W)).astype(jnp.float32)

    HW = H * W
    mcol = _make_sc_mask_kernel(HW, W, bs)(mask.reshape(HW))

    xt = x.transpose(0, 2, 3, 1).reshape(B * HW, C)
    S = HW * 2
    out = pl.pallas_call(
        lambda m_ref, x_ref, o_ref: _tc_mul_body(m_ref, x_ref, o_ref, HW=HW, S=S),
        grid=(B * HW // S,),
        in_specs=[
            pl.BlockSpec((HW, 1), lambda i: (0, 0)),
            pl.BlockSpec((S, C), lambda i: (i, 0)),
        ],
        out_specs=pl.BlockSpec((S, C), lambda i: (i, 0)),
        out_shape=jax.ShapeDtypeStruct((B * HW, C), x.dtype),
        compiler_params=pltpu.CompilerParams(
            dimension_semantics=("arbitrary",),
        ),
    )(mcol.reshape(HW, 1), xt)
    return out.reshape(B, H, W, C).transpose(0, 3, 1, 2)

# --- scband reference (transcript-rebuilt; emitter-appended) ---
"""Pipeline reference for scband-drop-block-22823456211827 (READ-ONLY COPY).

The authoritative reference and input builder live on the scoring server;
editing this copy changes nothing except your own understanding.
"""

import jax, jax.numpy as jnp
import numpy as np


def _compute_block_mask(mask, block_size):
    H, W = mask.shape
    nz_r, nz_c = jnp.nonzero(mask, size=H * W, fill_value=(H, W))
    nz = jnp.stack((nz_r, nz_c), axis=1)  # [nr, 2]
    # offsets: all (i, j) pairs within a block, i outer, j inner (matches torch code)
    offs = jnp.stack(
        jnp.meshgrid(jnp.arange(block_size), jnp.arange(block_size), indexing='ij'),
        axis=-1,
    ).reshape(-1, 2)  # [block_size**2, 2]
    # pair every nonzero seed with every offset
    block_idxs = (nz[None, :, :] + offs[:, None, :]).reshape(-1, 2)
    padded = jnp.pad(mask, ((0, block_size), (0, block_size)))
    padded = padded.at[block_idxs[:, 0], block_idxs[:, 1]].set(1.0)
    block_mask = padded[:H, :W]
    return 1.0 - block_mask


def setup_inputs(seed: int = 0) -> dict:
    key = jax.random.key(seed)
    x = jax.random.normal(jax.random.fold_in(key, 0), (16, 256, 64, 64), dtype=jnp.float32)
    return {"x": x, "block_size": 7, "feat_size": 64, "drop_rate": 0.1}


def reference(x, block_size, feat_size, drop_rate=0.1):
    assert x.ndim == 4, 'Expected input with 4 dimensions (bsize, channels, height, width)'
    assert x.shape[-1] > 7
    # gamma per DropBlock paper
    gamma = drop_rate / (block_size ** 2) * ((feat_size ** 2) / ((feat_size - block_size + 1) ** 2))
    H, W = x.shape[-2], x.shape[-1]
    mkey = jax.random.fold_in(jax.random.key(0), 1)
    mask = jax.random.bernoulli(mkey, gamma, (H, W)).astype(jnp.float32)
    block_mask = _compute_block_mask(mask, 7)
    out = x * block_mask[None, None, :, :]
    out = out * (block_mask.size / jnp.sum(block_mask))
    out = jnp.where(jnp.sum(mask != 0) == 0, x, out)
    return out

if __name__ == "__main__":
    import jax
    _d = setup_inputs()
    print(jax.jit(kernel)(*tuple(_d.values())))

</pallas_src>

<mosaic_0001>
#map = affine_map<(d0, d1) -> (0)>
module attributes {stable_mosaic.version = 14 : i64} {
  func.func @sc_mask(%arg0: i32, %arg1: i32, %arg2: memref<4096xf32, #tpu.memory_space<hbm>>, %arg3: memref<4096xf32, #tpu.memory_space<hbm>>, %arg4: memref<4496xf32, #tpu.memory_space<vmem>>, %arg5: memref<640xf32, #tpu.memory_space<vmem>>, %arg6: memref<256xf32, #tpu.memory_space<vmem>>, %arg7: memref<48xf32, #tpu.memory_space<vmem>>, %arg8: memref<256xf32, #tpu.memory_space<vmem>>, %arg9: memref<256xf32, #tpu.memory_space<vmem_shared>>) attributes {dimension_semantics = [#tpu.dimension_semantics<core_parallel>, #tpu.dimension_semantics<subcore_parallel>], iteration_bounds = array<i64: 2, 16>, scalar_prefetch = 0 : i64, scratch_operands = 6 : i64, tpu.core_type = #tpu.core_type<sc_vector_subcore>, window_params = [{transform_indices = #map}, {transform_indices = #map}]} {
    %mul3A = arith.constant 256 : i32
    %mul3A_0 = arith.muli %arg1, %mul3A : i32
    %broadcast_in_dim3A = arith.constant 0.000000e+00 : f32
    %broadcast_in_dim3A_1 = vector.broadcast %broadcast_in_dim3A : f32 to vector<16xf32>
    %scan3A = arith.constant 0 : i32
    %scan3A_2 = arith.constant 0 : i32
    %scan3A_3 = arith.constant 25 : i32
    %scan3A_4 = arith.addi %scan3A_2, %scan3A_3 : i32
    %scan3A_5 = arith.constant 1 : i32
    %scan3A_6 = scf.for %scan3A_145 = %scan3A_2 to %scan3A_4 step %scan3A_5 iter_args(%scan3A_146 = %scan3A) -> (i32)  : i32 {
      %mul3A_147 = arith.constant 16 : i32
      %mul3A_148 = arith.muli %scan3A_145, %mul3A_147 : i32
      %swap3A_149 = arith.index_cast %mul3A_148 : i32 to index
      %swap3A_150 = tpu.vector_load %arg4[%swap3A_149] {strides = array<i32>} : memref<4496xf32, #tpu.memory_space<vmem>>, vector<16xf32>,
      %swap3A_151 = vector.shape_cast %swap3A_150 : vector<16xf32> to vector<16xf32>
      %swap3A_152 = vector.shape_cast %broadcast_in_dim3A_1 : vector<16xf32> to vector<16xf32>
      tpu.vector_store %arg4[%swap3A_149], %swap3A_152 {strides = array<i32>} : memref<4496xf32, #tpu.memory_space<vmem>>, vector<16xf32>,
      %scan3A_153 = arith.constant 0 : i32
      scf.yield %scan3A_153 : i32
    }
    %scan3A_7 = arith.constant 25 : i32
    "tpu.region"() ({
      %run_scoped3A = tpu.sem_alloc : memref<!tpu.dma_semaphore, #tpu.memory_space<semaphore_mem>>
      %dma_start3A = arith.constant 400 : i32
      %dma_start3A_145 = tpu.memref_slice %arg4[%dma_start3A] : memref<4496xf32, #tpu.memory_space<vmem>> -> memref<4096xf32, #tpu.memory_space<vmem>>
      %dma_start3A_146 = arith.constant 400 : i32
      %dma_start3A_147 = tpu.memref_slice %arg4[%dma_start3A_146] : memref<4496xf32, #tpu.memory_space<vmem>> -> memref<4096xf32, #tpu.memory_space<vmem>>
      tpu.enqueue_dma source(%arg2 : memref<4096xf32, #tpu.memory_space<hbm>>) target(%dma_start3A_147 : memref<4096xf32, #tpu.memory_space<vmem>>) target_semaphore(%run_scoped3A : memref<!tpu.dma_semaphore, #tpu.memory_space<semaphore_mem>>)
      %dma_wait3A = arith.constant 400 : i32
      %dma_wait3A_148 = tpu.memref_slice %arg4[%dma_wait3A] : memref<4496xf32, #tpu.memory_space<vmem>> -> memref<4096xf32, #tpu.memory_space<vmem>>
      %dma_wait3A_149 = arith.constant 400 : i32
      %dma_wait3A_150 = tpu.memref_slice %arg4[%dma_wait3A_149] : memref<4496xf32, #tpu.memory_space<vmem>> -> memref<4096xf32, #tpu.memory_space<vmem>>
      tpu.wait_dma2 semaphore(%run_scoped3A : memref<!tpu.dma_semaphore, #tpu.memory_space<semaphore_mem>>) src(%arg2 : memref<4096xf32, #tpu.memory_space<hbm>>) dst(%dma_wait3A_150 : memref<4096xf32, #tpu.memory_space<vmem>>)
      tpu.yield
    }) : () -> ()
    %scan3A_8 = arith.constant 0 : i32
    %scan3A_9 = arith.constant 0 : i32
    %scan3A_10 = arith.constant 40 : i32
    %scan3A_11 = arith.addi %scan3A_9, %scan3A_10 : i32
    %scan3A_12 = arith.constant 1 : i32
    %scan3A_13 = scf.for %scan3A_145 = %scan3A_9 to %scan3A_11 step %scan3A_12 iter_args(%scan3A_146 = %scan3A_8) -> (i32)  : i32 {
      %mul3A_147 = arith.constant 16 : i32
      %mul3A_148 = arith.muli %scan3A_145, %mul3A_147 : i32
      %iota3A = tpu.iota {dimensions = array<i32: 0>} : vector<16xi32>
      %jit3A = arith.constant 64 : i32
      %eq3A = arith.constant 0 : i32
      %eq3A_149 = arith.cmpi eq, %jit3A, %eq3A : i32
      %jit3A_150 = arith.constant 1 : i32
      %select_n3A = arith.select %eq3A_149, %jit3A_150, %jit3A : i32
      %rem3A = arith.remsi %mul3A_148, %select_n3A : i32
      %ne3A = arith.constant 0 : i32
      %ne3A_151 = arith.cmpi ne, %rem3A, %ne3A : i32
      %lt3A = arith.constant 0 : i32
      %lt3A_152 = arith.cmpi slt, %rem3A, %lt3A : i32
      %lt3A_153 = arith.constant 0 : i32
      %lt3A_154 = arith.cmpi slt, %select_n3A, %lt3A_153 : i32
      %ne3A_155 = arith.xori %lt3A_152, %lt3A_154 : i1
      %and3A = arith.andi %ne3A_155, %ne3A_151 : i1
      %add3A_156 = arith.addi %rem3A, %select_n3A : i32
      %select_n3A_157 = arith.select %and3A, %add3A_156, %rem3A : i32
      %broadcast_in_dim3A_158 = vector.broadcast %select_n3A_157 : i32 to vector<16xi32>
      %add3A_159 = arith.addi %iota3A, %broadcast_in_dim3A_158 : vector<16xi32>
      %add3A_160 = arith.constant 400 : i32
      %add3A_161 = arith.addi %add3A_160, %mul3A_0 : i32
      %sub3A_162 = arith.constant 384 : i32
      %sub3A_163 = arith.subi %add3A_161, %sub3A_162 : i32
      %add3A_164 = arith.addi %sub3A_163, %mul3A_148 : i32
      %get3A_165 = arith.index_cast %add3A_164 : i32 to index
      %get3A_166 = tpu.vector_load %arg4[%get3A_165] {strides = array<i32>} : memref<4496xf32, #tpu.memory_space<vmem>>, vector<16xf32>,
      %get3A_167 = vector.shape_cast %get3A_166 : vector<16xf32> to vector<16xf32>
      %sub3A_168 = arith.constant 1 : i32
      %sub3A_169 = arith.subi %add3A_164, %sub3A_168 : i32
      %get3A_170 = arith.index_cast %sub3A_169 : i32 to index
      %get3A_171 = tpu.vector_load %arg4[%get3A_170] {strides = array<i32>} : memref<4496xf32, #tpu.memory_space<vmem>>, vector<16xf32>,
      %get3A_172 = vector.shape_cast %get3A_171 : vector<16xf32> to vector<16xf32>
      %broadcast_in_dim3A_173 = arith.constant 1 : i32
      %broadcast_in_dim3A_174 = vector.broadcast %broadcast_in_dim3A_173 : i32 to vector<16xi32>
      %ge3A = arith.cmpi sge, %add3A_159, %broadcast_in_dim3A_174 : vector<16xi32>
      %select_n3A_175 = arith.select %ge3A, %get3A_172, %broadcast_in_dim3A_1 : vector<16xi1>, vector<16xf32>
      %max3A = arith.maximumf %get3A_167, %select_n3A_175 : vector<16xf32>
      %sub3A_176 = arith.constant 2 : i32
      %sub3A_177 = arith.subi %add3A_164, %sub3A_176 : i32
      %get3A_178 = arith.index_cast %sub3A_177 : i32 to index
      %get3A_179 = tpu.vector_load %arg4[%get3A_178] {strides = array<i32>} : memref<4496xf32, #tpu.memory_space<vmem>>, vector<16xf32>,
      %get3A_180 = vector.shape_cast %get3A_179 : vector<16xf32> to vector<16xf32>
      %broadcast_in_dim3A_181 = arith.constant 2 : i32
      %broadcast_in_dim3A_182 = vector.broadcast %broadcast_in_dim3A_181 : i32 to vector<16xi32>
      %ge3A_183 = arith.cmpi sge, %add3A_159, %broadcast_in_dim3A_182 : vector<16xi32>
      %select_n3A_184 = arith.select %ge3A_183, %get3A_180, %broadcast_in_dim3A_1 : vector<16xi1>, vector<16xf32>
      %max3A_185 = arith.maximumf %max3A, %select_n3A_184 : vector<16xf32>
      %sub3A_186 = arith.constant 3 : i32
      %sub3A_187 = arith.subi %add3A_164, %sub3A_186 : i32
      %get3A_188 = arith.index_cast %sub3A_187 : i32 to index
      %get3A_189 = tpu.vector_load %arg4[%get3A_188] {strides = array<i32>} : memref<4496xf32, #tpu.memory_space<vmem>>, vector<16xf32>,
      %get3A_190 = vector.shape_cast %get3A_189 : vector<16xf32> to vector<16xf32>
      %broadcast_in_dim3A_191 = arith.constant 3 : i32
      %broadcast_in_dim3A_192 = vector.broadcast %broadcast_in_dim3A_191 : i32 to vector<16xi32>
      %ge3A_193 = arith.cmpi sge, %add3A_159, %broadcast_in_dim3A_192 : vector<16xi32>
      %select_n3A_194 = arith.select %ge3A_193, %get3A_190, %broadcast_in_dim3A_1 : vector<16xi1>, vector<16xf32>
      %max3A_195 = arith.maximumf %max3A_185, %select_n3A_194 : vector<16xf32>
      %sub3A_196 = arith.constant 4 : i32
      %sub3A_197 = arith.subi %add3A_164, %sub3A_196 : i32
      %get3A_198 = arith.index_cast %sub3A_197 : i32 to index
      %get3A_199 = tpu.vector_load %arg4[%get3A_198] {strides = array<i32>} : memref<4496xf32, #tpu.memory_space<vmem>>, vector<16xf32>,
      %get3A_200 = vector.shape_cast %get3A_199 : vector<16xf32> to vector<16xf32>
      %broadcast_in_dim3A_201 = arith.constant 4 : i32
      %broadcast_in_dim3A_202 = vector.broadcast %broadcast_in_dim3A_201 : i32 to vector<16xi32>
      %ge3A_203 = arith.cmpi sge, %add3A_159, %broadcast_in_dim3A_202 : vector<16xi32>
      %select_n3A_204 = arith.select %ge3A_203, %get3A_200, %broadcast_in_dim3A_1 : vector<16xi1>, vector<16xf32>
      %max3A_205 = arith.maximumf %max3A_195, %select_n3A_204 : vector<16xf32>
      %sub3A_206 = arith.constant 5 : i32
      %sub3A_207 = arith.subi %add3A_164, %sub3A_206 : i32
      %get3A_208 = arith.index_cast %sub3A_207 : i32 to index
      %get3A_209 = tpu.vector_load %arg4[%get3A_208] {strides = array<i32>} : memref<4496xf32, #tpu.memory_space<vmem>>, vector<16xf32>,
      %get3A_210 = vector.shape_cast %get3A_209 : vector<16xf32> to vector<16xf32>
      %broadcast_in_dim3A_211 = arith.constant 5 : i32
      %broadcast_in_dim3A_212 = vector.broadcast %broadcast_in_dim3A_211 : i32 to vector<16xi32>
      %ge3A_213 = arith.cmpi sge, %add3A_159, %broadcast_in_dim3A_212 : vector<16xi32>
      %select_n3A_214 = arith.select %ge3A_213, %get3A_210, %broadcast_in_dim3A_1 : vector<16xi1>, vector<16xf32>
      %max3A_215 = arith.maximumf %max3A_205, %select_n3A_214 : vector<16xf32>
      %sub3A_216 = arith.constant 6 : i32
      %sub3A_217 = arith.subi %add3A_164, %sub3A_216 : i32
      %get3A_218 = arith.index_cast %sub3A_217 : i32 to index
      %get3A_219 = tpu.vector_load %arg4[%get3A_218] {strides = array<i32>} : memref<4496xf32, #tpu.memory_space<vmem>>, vector<16xf32>,
      %get3A_220 = vector.shape_cast %get3A_219 : vector<16xf32> to vector<16xf32>
      %broadcast_in_dim3A_221 = arith.constant 6 : i32
      %broadcast_in_dim3A_222 = vector.broadcast %broadcast_in_dim3A_221 : i32 to vector<16xi32>
      %ge3A_223 = arith.cmpi sge, %add3A_159, %broadcast_in_dim3A_222 : vector<16xi32>
      %select_n3A_224 = arith.select %ge3A_223, %get3A_220, %broadcast_in_dim3A_1 : vector<16xi1>, vector<16xf32>
      %max3A_225 = arith.maximumf %max3A_215, %select_n3A_224 : vector<16xf32>
      %swap3A_226 = arith.index_cast %mul3A_148 : i32 to index
      %swap3A_227 = tpu.vector_load %arg5[%swap3A_226] {strides = array<i32>} : memref<640xf32, #tpu.memory_space<vmem>>, vector<16xf32>,
      %swap3A_228 = vector.shape_cast %swap3A_227 : vector<16xf32> to vector<16xf32>
      %swap3A_229 = vector.shape_cast %max3A_225 : vector<16xf32> to vector<16xf32>
      tpu.vector_store %arg5[%swap3A_226], %swap3A_229 {strides = array<i32>} : memref<640xf32, #tpu.memory_space<vmem>>, vector<16xf32>,
      %scan3A_230 = arith.constant 0 : i32
      scf.yield %scan3A_230 : i32
    }
    %scan3A_14 = arith.constant 40 : i32
    %broadcast_in_dim3A_15 = arith.constant 1.000000e+00 : f32
    %broadcast_in_dim3A_16 = vector.broadcast %broadcast_in_dim3A_15 : f32 to vector<16xf32>
    %broadcast_in_dim3A_17 = arith.constant 0.000000e+00 : f32
    %broadcast_in_dim3A_18 = vector.broadcast %broadcast_in_dim3A_17 : f32 to vector<16xf32>
    %scan3A_19 = arith.constant 0 : i32
    %scan3A_20 = arith.constant 16 : i32
    %scan3A_21 = arith.addi %scan3A_19, %scan3A_20 : i32
    %scan3A_22 = arith.constant 1 : i32
    %scan3A_23 = scf.for %scan3A_145 = %scan3A_19 to %scan3A_21 step %scan3A_22 iter_args(%scan3A_146 = %broadcast_in_dim3A_18) -> (vector<16xf32>)  : i32 {
      %mul3A_147 = arith.constant 16 : i32
      %mul3A_148 = arith.muli %scan3A_145, %mul3A_147 : i32
      %add3A_149 = arith.constant 384 : i32
      %add3A_150 = arith.addi %add3A_149, %mul3A_148 : i32
      %get3A_151 = arith.index_cast %add3A_150 : i32 to index
      %get3A_152 = tpu.vector_load %arg5[%get3A_151] {strides = array<i32>} : memref<640xf32, #tpu.memory_space<vmem>>, vector<16xf32>,
      %get3A_153 = vector.shape_cast %get3A_152 : vector<16xf32> to vector<16xf32>
      %add3A_154 = arith.constant 384 : i32
      %add3A_155 = arith.addi %add3A_154, %mul3A_148 : i32
      %sub3A_156 = arith.constant 64 : i32
      %sub3A_157 = arith.subi %add3A_155, %sub3A_156 : i32
      %get3A_158 = arith.index_cast %sub3A_157 : i32 to index
      %get3A_159 = tpu.vector_load %arg5[%get3A_158] {strides = array<i32>} : memref<640xf32, #tpu.memory_space<vmem>>, vector<16xf32>,
      %get3A_160 = vector.shape_cast %get3A_159 : vector<16xf32> to vector<16xf32>
      %max3A = arith.maximumf %get3A_153, %get3A_160 : vector<16xf32>
      %add3A_161 = arith.constant 384 : i32
      %add3A_162 = arith.addi %add3A_161, %mul3A_148 : i32
      %sub3A_163 = arith.constant 128 : i32
      %sub3A_164 = arith.subi %add3A_162, %sub3A_163 : i32
      %get3A_165 = arith.index_cast %sub3A_164 : i32 to index
      %get3A_166 = tpu.vector_load %arg5[%get3A_165] {strides = array<i32>} : memref<640xf32, #tpu.memory_space<vmem>>, vector<16xf32>,
      %get3A_167 = vector.shape_cast %get3A_166 : vector<16xf32> to vector<16xf32>
      %max3A_168 = arith.maximumf %max3A, %get3A_167 : vector<16xf32>
      %add3A_169 = arith.constant 384 : i32
      %add3A_170 = arith.addi %add3A_169, %mul3A_148 : i32
      %sub3A_171 = arith.constant 192 : i32
      %sub3A_172 = arith.subi %add3A_170, %sub3A_171 : i32
      %get3A_173 = arith.index_cast %sub3A_172 : i32 to index
      %get3A_174 = tpu.vector_load %arg5[%get3A_173] {strides = array<i32>} : memref<640xf32, #tpu.memory_space<vmem>>, vector<16xf32>,
      %get3A_175 = vector.shape_cast %get3A_174 : vector<16xf32> to vector<16xf32>
      %max3A_176 = arith.maximumf %max3A_168, %get3A_175 : vector<16xf32>
      %add3A_177 = arith.constant 384 : i32
      %add3A_178 = arith.addi %add3A_177, %mul3A_148 : i32
      %sub3A_179 = arith.constant 256 : i32
      %sub3A_180 = arith.subi %add3A_178, %sub3A_179 : i32
      %get3A_181 = arith.index_cast %sub3A_180 : i32 to index
      %get3A_182 = tpu.vector_load %arg5[%get3A_181] {strides = array<i32>} : memref<640xf32, #tpu.memory_space<vmem>>, vector<16xf32>,
      %get3A_183 = vector.shape_cast %get3A_182 : vector<16xf32> to vector<16xf32>
      %max3A_184 = arith.maximumf %max3A_176, %get3A_183 : vector<16xf32>
      %add3A_185 = arith.constant 384 : i32
      %add3A_186 = arith.addi %add3A_185, %mul3A_148 : i32
      %sub3A_187 = arith.constant 320 : i32
      %sub3A_188 = arith.subi %add3A_186, %sub3A_187 : i32
      %get3A_189 = arith.index_cast %sub3A_188 : i32 to index
      %get3A_190 = tpu.vector_load %arg5[%get3A_189] {strides = array<i32>} : memref<640xf32, #tpu.memory_space<vmem>>, vector<16xf32>,
      %get3A_191 = vector.shape_cast %get3A_190 : vector<16xf32> to vector<16xf32>
      %max3A_192 = arith.maximumf %max3A_184, %get3A_191 : vector<16xf32>
      %add3A_193 = arith.constant 384 : i32
      %add3A_194 = arith.addi %add3A_193, %mul3A_148 : i32
      %sub3A_195 = arith.constant 384 : i32
      %sub3A_196 = arith.subi %add3A_194, %sub3A_195 : i32
      %get3A_197 = arith.index_cast %sub3A_196 : i32 to index
      %get3A_198 = tpu.vector_load %arg5[%get3A_197] {strides = array<i32>} : memref<640xf32, #tpu.memory_space<vmem>>, vector<16xf32>,
      %get3A_199 = vector.shape_cast %get3A_198 : vector<16xf32> to vector<16xf32>
      %max3A_200 = arith.maximumf %max3A_192, %get3A_199 : vector<16xf32>
      %sub3A_201 = arith.subf %broadcast_in_dim3A_16, %max3A_200 : vector<16xf32>
      %swap3A_202 = arith.index_cast %mul3A_148 : i32 to index
      %swap3A_203 = tpu.vector_load %arg6[%swap3A_202] {strides = array<i32>} : memref<256xf32, #tpu.memory_space<vmem>>, vector<16xf32>,
      %swap3A_204 = vector.shape_cast %swap3A_203 : vector<16xf32> to vector<16xf32>
      %swap3A_205 = vector.shape_cast %sub3A_201 : vector<16xf32> to vector<16xf32>
      tpu.vector_store %arg6[%swap3A_202], %swap3A_205 {strides = array<i32>} : memref<256xf32, #tpu.memory_space<vmem>>, vector<16xf32>,
      %add3A_206 = arith.addf %scan3A_146, %sub3A_201 : vector<16xf32>
      scf.yield %add3A_206 : vector<16xf32>
    }
    %scan3A_24 = arith.constant 16 : i32
    %swap3A = arith.constant 0 : index
    %swap3A_25 = tpu.vector_load %arg8[%swap3A] {strides = array<i32>} : memref<256xf32, #tpu.memory_space<vmem>>, vector<16xf32>,
    %swap3A_26 = vector.shape_cast %swap3A_25 : vector<16xf32> to vector<16xf32>
    %swap3A_27 = vector.shape_cast %scan3A_23 : vector<16xf32> to vector<16xf32>
    tpu.vector_store %arg8[%swap3A], %swap3A_27 {strides = array<i32>} : memref<256xf32, #tpu.memory_space<vmem>>, vector<16xf32>,
    %mul3A_28 = arith.constant 16 : i32
    %mul3A_29 = arith.muli %arg1, %mul3A_28 : i32
    "tpu.region"() ({
      %run_scoped3A = tpu.sem_alloc : memref<!tpu.dma_semaphore, #tpu.memory_space<semaphore_mem>>
      %dma_start3A = arith.constant 0 : i32
      %dma_start3A_145 = tpu.memref_slice %arg8[%dma_start3A] : memref<256xf32, #tpu.memory_space<vmem>> -> memref<16xf32, #tpu.memory_space<vmem>>
      %dma_start3A_146 = tpu.memref_slice %arg9[%mul3A_29] : memref<256xf32, #tpu.memory_space<vmem_shared>> -> memref<16xf32, #tpu.memory_space<vmem_shared>>
      %dma_start3A_147 = tpu.memref_slice %arg9[%mul3A_29] : memref<256xf32, #tpu.memory_space<vmem_shared>> -> memref<16xf32, #tpu.memory_space<vmem_shared>>
      %dma_start3A_148 = arith.constant 0 : i32
      %dma_start3A_149 = tpu.memref_slice %arg8[%dma_start3A_148] : memref<256xf32, #tpu.memory_space<vmem>> -> memref<16xf32, #tpu.memory_space<vmem>>
      tpu.enqueue_dma source(%dma_start3A_149 : memref<16xf32, #tpu.memory_space<vmem>>) target(%dma_start3A_147 : memref<16xf32, #tpu.memory_space<vmem_shared>>) target_semaphore(%run_scoped3A : memref<!tpu.dma_semaphore, #tpu.memory_space<semaphore_mem>>)
      %dma_wait3A = arith.constant 0 : i32
      %dma_wait3A_150 = tpu.memref_slice %arg8[%dma_wait3A] : memref<256xf32, #tpu.memory_space<vmem>> -> memref<16xf32, #tpu.memory_space<vmem>>
      %dma_wait3A_151 = tpu.memref_slice %arg9[%mul3A_29] : memref<256xf32, #tpu.memory_space<vmem_shared>> -> memref<16xf32, #tpu.memory_space<vmem_shared>>
      %dma_wait3A_152 = tpu.memref_slice %arg9[%mul3A_29] : memref<256xf32, #tpu.memory_space<vmem_shared>> -> memref<16xf32, #tpu.memory_space<vmem_shared>>
      %dma_wait3A_153 = arith.constant 0 : i32
      %dma_wait3A_154 = tpu.memref_slice %arg8[%dma_wait3A_153] : memref<256xf32, #tpu.memory_space<vmem>> -> memref<16xf32, #tpu.memory_space<vmem>>
      tpu.wait_dma2 semaphore(%run_scoped3A : memref<!tpu.dma_semaphore, #tpu.memory_space<semaphore_mem>>) src(%dma_wait3A_154 : memref<16xf32, #tpu.memory_space<vmem>>) dst(%dma_wait3A_152 : memref<16xf32, #tpu.memory_space<vmem_shared>>)
      tpu.yield
    }) : () -> ()
    %barrier3A = arith.constant 0 : index
    tpu.barrier barrier_id(%barrier3A)
    "tpu.region"() ({
      %run_scoped3A = tpu.sem_alloc : memref<!tpu.dma_semaphore, #tpu.memory_space<semaphore_mem>>
      tpu.enqueue_dma source(%arg9 : memref<256xf32, #tpu.memory_space<vmem_shared>>) target(%arg8 : memref<256xf32, #tpu.memory_space<vmem>>) target_semaphore(%run_scoped3A : memref<!tpu.dma_semaphore, #tpu.memory_space<semaphore_mem>>)
      tpu.wait_dma2 semaphore(%run_scoped3A : memref<!tpu.dma_semaphore, #tpu.memory_space<semaphore_mem>>) src(%arg9 : memref<256xf32, #tpu.memory_space<vmem_shared>>) dst(%arg8 : memref<256xf32, #tpu.memory_space<vmem>>)
      tpu.yield
    }) : () -> ()
    %broadcast_in_dim3A_30 = arith.constant 0.000000e+00 : f32
    %broadcast_in_dim3A_31 = vector.broadcast %broadcast_in_dim3A_30 : f32 to vector<16xf32>
    %scan3A_32 = arith.constant 0 : i32
    %scan3A_33 = arith.constant 16 : i32
    %scan3A_34 = arith.addi %scan3A_32, %scan3A_33 : i32
    %scan3A_35 = arith.constant 1 : i32
    %scan3A_36 = scf.for %scan3A_145 = %scan3A_32 to %scan3A_34 step %scan3A_35 iter_args(%scan3A_146 = %broadcast_in_dim3A_31) -> (vector<16xf32>)  : i32 {
      %mul3A_147 = arith.constant 16 : i32
      %mul3A_148 = arith.muli %scan3A_145, %mul3A_147 : i32
      %get3A_149 = arith.index_cast %mul3A_148 : i32 to index
      %get3A_150 = tpu.vector_load %arg8[%get3A_149] {strides = array<i32>} : memref<256xf32, #tpu.memory_space<vmem>>, vector<16xf32>,
      %get3A_151 = vector.shape_cast %get3A_150 : vector<16xf32> to vector<16xf32>
      %add3A_152 = arith.addf %scan3A_146, %get3A_151 : vector<16xf32>
      scf.yield %add3A_152 : vector<16xf32>
    }
    %scan3A_37 = arith.constant 16 : i32
    %swap3A_38 = arith.constant 0 : index
    %swap3A_39 = tpu.vector_load %arg7[%swap3A_38] {strides = array<i32>} : memref<48xf32, #tpu.memory_space<vmem>>, vector<16xf32>,
    %swap3A_40 = vector.shape_cast %swap3A_39 : vector<16xf32> to vector<16xf32>
    %swap3A_41 = vector.shape_cast %broadcast_in_dim3A_1 : vector<16xf32> to vector<16xf32>
    tpu.vector_store %arg7[%swap3A_38], %swap3A_41 {strides = array<i32>} : memref<48xf32, #tpu.memory_space<vmem>>, vector<16xf32>,
    %swap3A_42 = arith.constant 32 : index
    %swap3A_43 = tpu.vector_load %arg7[%swap3A_42] {strides = array<i32>} : memref<48xf32, #tpu.memory_space<vmem>>, vector<16xf32>,
    %swap3A_44 = vector.shape_cast %swap3A_43 : vector<16xf32> to vector<16xf32>
    %swap3A_45 = vector.shape_cast %broadcast_in_dim3A_1 : vector<16xf32> to vector<16xf32>
    tpu.vector_store %arg7[%swap3A_42], %swap3A_45 {strides = array<i32>} : memref<48xf32, #tpu.memory_space<vmem>>, vector<16xf32>,
    %swap3A_46 = arith.constant 16 : index
    %swap3A_47 = tpu.vector_load %arg7[%swap3A_46] {strides = array<i32>} : memref<48xf32, #tpu.memory_space<vmem>>, vector<16xf32>,
    %swap3A_48 = vector.shape_cast %swap3A_47 : vector<16xf32> to vector<16xf32>
    %swap3A_49 = vector.shape_cast %scan3A_36 : vector<16xf32> to vector<16xf32>
    tpu.vector_store %arg7[%swap3A_46], %swap3A_49 {strides = array<i32>} : memref<48xf32, #tpu.memory_space<vmem>>, vector<16xf32>,
    %get3A = arith.constant 16 : index
    %get3A_50 = tpu.vector_load %arg7[%get3A] {strides = array<i32>} : memref<48xf32, #tpu.memory_space<vmem>>, vector<16xf32>,
    %get3A_51 = vector.shape_cast %get3A_50 : vector<16xf32> to vector<16xf32>
    %get3A_52 = arith.constant 8 : index
    %get3A_53 = tpu.vector_load %arg7[%get3A_52] {strides = array<i32>} : memref<48xf32, #tpu.memory_space<vmem>>, vector<16xf32>,
    %get3A_54 = vector.shape_cast %get3A_53 : vector<16xf32> to vector<16xf32>
    %add3A = arith.addf %get3A_51, %get3A_54 : vector<16xf32>
    %swap3A_55 = arith.constant 16 : index
    %swap3A_56 = tpu.vector_load %arg7[%swap3A_55] {strides = array<i32>} : memref<48xf32, #tpu.memory_space<vmem>>, vector<16xf32>,
    %swap3A_57 = vector.shape_cast %swap3A_56 : vector<16xf32> to vector<16xf32>
    %swap3A_58 = vector.shape_cast %add3A : vector<16xf32> to vector<16xf32>
    tpu.vector_store %arg7[%swap3A_55], %swap3A_58 {strides = array<i32>} : memref<48xf32, #tpu.memory_space<vmem>>, vector<16xf32>,
    %get3A_59 = arith.constant 16 : index
    %get3A_60 = tpu.vector_load %arg7[%get3A_59] {strides = array<i32>} : memref<48xf32, #tpu.memory_space<vmem>>, vector<16xf32>,
    %get3A_61 = vector.shape_cast %get3A_60 : vector<16xf32> to vector<16xf32>
    %get3A_62 = arith.constant 12 : index
    %get3A_63 = tpu.vector_load %arg7[%get3A_62] {strides = array<i32>} : memref<48xf32, #tpu.memory_space<vmem>>, vector<16xf32>,
    %get3A_64 = vector.shape_cast %get3A_63 : vector<16xf32> to vector<16xf32>
    %add3A_65 = arith.addf %get3A_61, %get3A_64 : vector<16xf32>
    %swap3A_66 = arith.constant 16 : index
    %swap3A_67 = tpu.vector_load %arg7[%swap3A_66] {strides = array<i32>} : memref<48xf32, #tpu.memory_space<vmem>>, vector<16xf32>,
    %swap3A_68 = vector.shape_cast %swap3A_67 : vector<16xf32> to vector<16xf32>
    %swap3A_69 = vector.shape_cast %add3A_65 : vector<16xf32> to vector<16xf32>
    tpu.vector_store %arg7[%swap3A_66], %swap3A_69 {strides = array<i32>} : memref<48xf32, #tpu.memory_space<vmem>>, vector<16xf32>,
    %get3A_70 = arith.constant 16 : index
    %get3A_71 = tpu.vector_load %arg7[%get3A_70] {strides = array<i32>} : memref<48xf32, #tpu.memory_space<vmem>>, vector<16xf32>,
    %get3A_72 = vector.shape_cast %get3A_71 : vector<16xf32> to vector<16xf32>
    %get3A_73 = arith.constant 14 : index
    %get3A_74 = tpu.vector_load %arg7[%get3A_73] {strides = array<i32>} : memref<48xf32, #tpu.memory_space<vmem>>, vector<16xf32>,
    %get3A_75 = vector.shape_cast %get3A_74 : vector<16xf32> to vector<16xf32>
    %add3A_76 = arith.addf %get3A_72, %get3A_75 : vector<16xf32>
    %swap3A_77 = arith.constant 16 : index
    %swap3A_78 = tpu.vector_load %arg7[%swap3A_77] {strides = array<i32>} : memref<48xf32, #tpu.memory_space<vmem>>, vector<16xf32>,
    %swap3A_79 = vector.shape_cast %swap3A_78 : vector<16xf32> to vector<16xf32>
    %swap3A_80 = vector.shape_cast %add3A_76 : vector<16xf32> to vector<16xf32>
    tpu.vector_store %arg7[%swap3A_77], %swap3A_80 {strides = array<i32>} : memref<48xf32, #tpu.memory_space<vmem>>, vector<16xf32>,
    %get3A_81 = arith.constant 16 : index
    %get3A_82 = tpu.vector_load %arg7[%get3A_81] {strides = array<i32>} : memref<48xf32, #tpu.memory_space<vmem>>, vector<16xf32>,
    %get3A_83 = vector.shape_cast %get3A_82 : vector<16xf32> to vector<16xf32>
    %get3A_84 = arith.constant 15 : index
    %get3A_85 = tpu.vector_load %arg7[%get3A_84] {strides = array<i32>} : memref<48xf32, #tpu.memory_space<vmem>>, vector<16xf32>,
    %get3A_86 = vector.shape_cast %get3A_85 : vector<16xf32> to vector<16xf32>
    %add3A_87 = arith.addf %get3A_83, %get3A_86 : vector<16xf32>
    %swap3A_88 = arith.constant 16 : index
    %swap3A_89 = tpu.vector_load %arg7[%swap3A_88] {strides = array<i32>} : memref<48xf32, #tpu.memory_space<vmem>>, vector<16xf32>,
    %swap3A_90 = vector.shape_cast %swap3A_89 : vector<16xf32> to vector<16xf32>
    %swap3A_91 = vector.shape_cast %scan3A_36 : vector<16xf32> to vector<16xf32>
    tpu.vector_store %arg7[%swap3A_88], %swap3A_91 {strides = array<i32>} : memref<48xf32, #tpu.memory_space<vmem>>, vector<16xf32>,
    %get3A_92 = arith.constant 16 : index
    %get3A_93 = tpu.vector_load %arg7[%get3A_92] {strides = array<i32>} : memref<48xf32, #tpu.memory_space<vmem>>, vector<16xf32>,
    %get3A_94 = vector.shape_cast %get3A_93 : vector<16xf32> to vector<16xf32>
    %get3A_95 = arith.constant 24 : index
    %get3A_96 = tpu.vector_load %arg7[%get3A_95] {strides = array<i32>} : memref<48xf32, #tpu.memory_space<vmem>>, vector<16xf32>,
    %get3A_97 = vector.shape_cast %get3A_96 : vector<16xf32> to vector<16xf32>
    %add3A_98 = arith.addf %get3A_94, %get3A_97 : vector<16xf32>
    %swap3A_99 = arith.constant 16 : index
    %swap3A_100 = tpu.vector_load %arg7[%swap3A_99] {strides = array<i32>} : memref<48xf32, #tpu.memory_space<vmem>>, vector<16xf32>,
    %swap3A_101 = vector.shape_cast %swap3A_100 : vector<16xf32> to vector<16xf32>
    %swap3A_102 = vector.shape_cast %add3A_98 : vector<16xf32> to vector<16xf32>
    tpu.vector_store %arg7[%swap3A_99], %swap3A_102 {strides = array<i32>} : memref<48xf32, #tpu.memory_space<vmem>>, vector<16xf32>,
    %get3A_103 = arith.constant 16 : index
    %get3A_104 = tpu.vector_load %arg7[%get3A_103] {strides = array<i32>} : memref<48xf32, #tpu.memory_space<vmem>>, vector<16xf32>,
    %get3A_105 = vector.shape_cast %get3A_104 : vector<16xf32> to vector<16xf32>
    %get3A_106 = arith.constant 20 : index
    %get3A_107 = tpu.vector_load %arg7[%get3A_106] {strides = array<i32>} : memref<48xf32, #tpu.memory_space<vmem>>, vector<16xf32>,
    %get3A_108 = vector.shape_cast %get3A_107 : vector<16xf32> to vector<16xf32>
    %add3A_109 = arith.addf %get3A_105, %get3A_108 : vector<16xf32>
    %swap3A_110 = arith.constant 16 : index
    %swap3A_111 = tpu.vector_load %arg7[%swap3A_110] {strides = array<i32>} : memref<48xf32, #tpu.memory_space<vmem>>, vector<16xf32>,
    %swap3A_112 = vector.shape_cast %swap3A_111 : vector<16xf32> to vector<16xf32>
    %swap3A_113 = vector.shape_cast %add3A_109 : vector<16xf32> to vector<16xf32>
    tpu.vector_store %arg7[%swap3A_110], %swap3A_113 {strides = array<i32>} : memref<48xf32, #tpu.memory_space<vmem>>, vector<16xf32>,
    %get3A_114 = arith.constant 16 : index
    %get3A_115 = tpu.vector_load %arg7[%get3A_114] {strides = array<i32>} : memref<48xf32, #tpu.memory_space<vmem>>, vector<16xf32>,
    %get3A_116 = vector.shape_cast %get3A_115 : vector<16xf32> to vector<16xf32>
    %get3A_117 = arith.constant 18 : index
    %get3A_118 = tpu.vector_load %arg7[%get3A_117] {strides = array<i32>} : memref<48xf32, #tpu.memory_space<vmem>>, vector<16xf32>,
    %get3A_119 = vector.shape_cast %get3A_118 : vector<16xf32> to vector<16xf32>
    %add3A_120 = arith.addf %get3A_116, %get3A_119 : vector<16xf32>
    %swap3A_121 = arith.constant 16 : index
    %swap3A_122 = tpu.vector_load %arg7[%swap3A_121] {strides = array<i32>} : memref<48xf32, #tpu.memory_space<vmem>>, vector<16xf32>,
    %swap3A_123 = vector.shape_cast %swap3A_122 : vector<16xf32> to vector<16xf32>
    %swap3A_124 = vector.shape_cast %add3A_120 : vector<16xf32> to vector<16xf32>
    tpu.vector_store %arg7[%swap3A_121], %swap3A_124 {strides = array<i32>} : memref<48xf32, #tpu.memory_space<vmem>>, vector<16xf32>,
    %get3A_125 = arith.constant 16 : index
    %get3A_126 = tpu.vector_load %arg7[%get3A_125] {strides = array<i32>} : memref<48xf32, #tpu.memory_space<vmem>>, vector<16xf32>,
    %get3A_127 = vector.shape_cast %get3A_126 : vector<16xf32> to vector<16xf32>
    %get3A_128 = arith.constant 17 : index
    %get3A_129 = tpu.vector_load %arg7[%get3A_128] {strides = array<i32>} : memref<48xf32, #tpu.memory_space<vmem>>, vector<16xf32>,
    %get3A_130 = vector.shape_cast %get3A_129 : vector<16xf32> to vector<16xf32>
    %add3A_131 = arith.addf %get3A_127, %get3A_130 : vector<16xf32>
    %add3A_132 = arith.addf %add3A_87, %add3A_131 : vector<16xf32>
    %sub3A = arith.subf %add3A_132, %scan3A_36 : vector<16xf32>
    %broadcast_in_dim3A_133 = arith.constant 4.096000e+03 : f32
    %broadcast_in_dim3A_134 = vector.broadcast %broadcast_in_dim3A_133 : f32 to vector<16xf32>
    %div3A = arith.divf %broadcast_in_dim3A_134, %sub3A : vector<16xf32>
    %mul3A_135 = arith.constant 128 : i32
    %mul3A_136 = arith.muli %arg0, %mul3A_135 : i32
    %scan3A_137 = arith.constant 0 : i32
    %scan3A_138 = arith.constant 0 : i32
    %scan3A_139 = arith.constant 8 : i32
    %scan3A_140 = arith.addi %scan3A_138, %scan3A_139 : i32
    %scan3A_141 = arith.constant 1 : i32
    %scan3A_142 = scf.for %scan3A_145 = %scan3A_138 to %scan3A_140 step %scan3A_141 iter_args(%scan3A_146 = %scan3A_137) -> (i32)  : i32 {
      %mul3A_147 = arith.constant 16 : i32
      %mul3A_148 = arith.muli %scan3A_145, %mul3A_147 : i32
      %add3A_149 = arith.addi %mul3A_136, %mul3A_148 : i32
      %get3A_150 = arith.index_cast %add3A_149 : i32 to index
      %get3A_151 = tpu.vector_load %arg6[%get3A_150] {strides = array<i32>} : memref<256xf32, #tpu.memory_space<vmem>>, vector<16xf32>,
      %get3A_152 = vector.shape_cast %get3A_151 : vector<16xf32> to vector<16xf32>
      %mul3A_153 = arith.mulf %get3A_152, %div3A : vector<16xf32>
      %swap3A_154 = arith.index_cast %add3A_149 : i32 to index
      %swap3A_155 = tpu.vector_load %arg6[%swap3A_154] {strides = array<i32>} : memref<256xf32, #tpu.memory_space<vmem>>, vector<16xf32>,
      %swap3A_156 = vector.shape_cast %swap3A_155 : vector<16xf32> to vector<16xf32>
      %swap3A_157 = vector.shape_cast %mul3A_153 : vector<16xf32> to vector<16xf32>
      tpu.vector_store %arg6[%swap3A_154], %swap3A_157 {strides = array<i32>} : memref<256xf32, #tpu.memory_space<vmem>>, vector<16xf32>,
      %scan3A_158 = arith.constant 0 : i32
      scf.yield %scan3A_158 : i32
    }
    %scan3A_143 = arith.constant 8 : i32
    %add3A_144 = arith.addi %mul3A_0, %mul3A_136 : i32
    "tpu.region"() ({
      %run_scoped3A = tpu.sem_alloc : memref<!tpu.dma_semaphore, #tpu.memory_space<semaphore_mem>>
      %dma_start3A = tpu.memref_slice %arg6[%mul3A_136] : memref<256xf32, #tpu.memory_space<vmem>> -> memref<128xf32, #tpu.memory_space<vmem>>
      %dma_start3A_145 = tpu.memref_slice %arg3[%add3A_144] : memref<4096xf32, #tpu.memory_space<hbm>> -> memref<128xf32, #tpu.memory_space<hbm>>
      %dma_start3A_146 = tpu.memref_slice %arg3[%add3A_144] : memref<4096xf32, #tpu.memory_space<hbm>> -> memref<128xf32, #tpu.memory_space<hbm>>
      %dma_start3A_147 = tpu.memref_slice %arg6[%mul3A_136] : memref<256xf32, #tpu.memory_space<vmem>> -> memref<128xf32, #tpu.memory_space<vmem>>
      tpu.enqueue_dma source(%dma_start3A_147 : memref<128xf32, #tpu.memory_space<vmem>>) target(%dma_start3A_146 : memref<128xf32, #tpu.memory_space<hbm>>) target_semaphore(%run_scoped3A : memref<!tpu.dma_semaphore, #tpu.memory_space<semaphore_mem>>)
      %dma_wait3A = tpu.memref_slice %arg6[%mul3A_136] : memref<256xf32, #tpu.memory_space<vmem>> -> memref<128xf32, #tpu.memory_space<vmem>>
      %dma_wait3A_148 = tpu.memref_slice %arg3[%add3A_144] : memref<4096xf32, #tpu.memory_space<hbm>> -> memref<128xf32, #tpu.memory_space<hbm>>
      %dma_wait3A_149 = tpu.memref_slice %arg3[%add3A_144] : memref<4096xf32, #tpu.memory_space<hbm>> -> memref<128xf32, #tpu.memory_space<hbm>>
      %dma_wait3A_150 = tpu.memref_slice %arg6[%mul3A_136] : memref<256xf32, #tpu.memory_space<vmem>> -> memref<128xf32, #tpu.memory_space<vmem>>
      tpu.wait_dma2 semaphore(%run_scoped3A : memref<!tpu.dma_semaphore, #tpu.memory_space<semaphore_mem>>) src(%dma_wait3A_150 : memref<128xf32, #tpu.memory_space<vmem>>) dst(%dma_wait3A_149 : memref<128xf32, #tpu.memory_space<hbm>>)
      tpu.yield
    }) : () -> ()
    return
  }
}

module attributes {stable_mosaic.version = 14 : i64} {
  func.func @_lambda_(%arg0: i32, %arg1: memref<4096x1xf32, #tpu.memory_space<vmem>>, %arg2: memref<8192x256xf32, #tpu.memory_space<vmem>>, %arg3: memref<8192x256xf32, #tpu.memory_space<vmem>>) attributes {dimension_semantics = [#tpu.dimension_semantics<arbitrary>], iteration_bounds = array<i64: 8>, scalar_prefetch = 0 : i64, scratch_operands = 0 : i64, tpu.core_type = #tpu.core_type<tc>, window_params = [{pipeline_mode = #tpu.pipeline_mode<synchronous>, transform_indices = @transform_0, window_bounds = array<i64: 4096, 1>}, {transform_indices = @transform_1, window_bounds = array<i64: 8192, 256>}, {transform_indices = @transform_2, window_bounds = array<i64: 8192, 256>}]} {
    %get3A = arith.constant 0 : index
    %get3A_0 = arith.constant 0 : index
    %get3A_1 = vector.load %arg2[%get3A, %get3A_0] : memref<8192x256xf32, #tpu.memory_space<vmem>>, vector<4096x256xf32>
    %get3A_2 = arith.constant 0 : index
    %get3A_3 = arith.constant 0 : index
    %get3A_4 = vector.load %arg1[%get3A_2, %get3A_3] : memref<4096x1xf32, #tpu.memory_space<vmem>>, vector<4096x1xf32>
    %mul3A = vector.broadcast %get3A_4 : vector<4096x1xf32> to vector<4096x256xf32>
    %mul3A_5 = arith.mulf %get3A_1, %mul3A : vector<4096x256xf32>
    %swap3A = arith.constant 0 : index
    %swap3A_6 = arith.constant 0 : index
    %swap3A_7 = vector.load %arg3[%swap3A, %swap3A_6] : memref<8192x256xf32, #tpu.memory_space<vmem>>, vector<4096x256xf32>
    tpu.vector_store %arg3[%swap3A, %swap3A_6], %mul3A_5 {strides = array<i32>} : memref<8192x256xf32, #tpu.memory_space<vmem>>, vector<4096x256xf32>,
    %get3A_8 = arith.constant 4096 : index
    %get3A_9 = arith.constant 0 : index
    %get3A_10 = vector.load %arg2[%get3A_8, %get3A_9] : memref<8192x256xf32, #tpu.memory_space<vmem>>, vector<4096x256xf32>
    %get3A_11 = arith.constant 0 : index
    %get3A_12 = arith.constant 0 : index
    %get3A_13 = vector.load %arg1[%get3A_11, %get3A_12] : memref<4096x1xf32, #tpu.memory_space<vmem>>, vector<4096x1xf32>
    %mul3A_14 = vector.broadcast %get3A_13 : vector<4096x1xf32> to vector<4096x256xf32>
    %mul3A_15 = arith.mulf %get3A_10, %mul3A_14 : vector<4096x256xf32>
    %swap3A_16 = arith.constant 4096 : index
    %swap3A_17 = arith.constant 0 : index
    %swap3A_18 = vector.load %arg3[%swap3A_16, %swap3A_17] : memref<8192x256xf32, #tpu.memory_space<vmem>>, vector<4096x256xf32>
    tpu.vector_store %arg3[%swap3A_16, %swap3A_17], %mul3A_15 {strides = array<i32>} : memref<8192x256xf32, #tpu.memory_space<vmem>>, vector<4096x256xf32>,
    return
  }
  func.func @transform_0(%arg0: i32) -> (i32, i32) {
    %c0_i32 = arith.constant 0 : i32
    %c0_i32_0 = arith.constant 0 : i32
    %c0_i32_1 = arith.constant 0 : i32
    return %c0_i32, %c0_i32_0 : i32, i32
  }
  func.func @transform_1(%arg0: i32) -> (i32, i32) {
    %c0_i32 = arith.constant 0 : i32
    %c0_i32_0 = arith.constant 0 : i32
    return %arg0, %c0_i32 : i32, i32
  }
  func.func @transform_2(%arg0: i32) -> (i32, i32) {
    %c0_i32 = arith.constant 0 : i32
    %c0_i32_0 = arith.constant 0 : i32
    return %arg0, %c0_i32 : i32, i32
  }
}

</mosaic_0001>

<sc_bundles>
// kernel: kernel.6.cloned.1.call-start
scs
__scs_entry_jumppad:
0x0: {  	(pc) =	sbr.rel $0x88, $3  }
0x1: {  	(tag) =	ssettag $0x0;
	lr =	simm.s32 $0x1  }
0x2: {  	[smem:$0x3F9D] =	sst lr;
	_ =	strace $0xD0000000  }
0x3: {  	_ = 	snop  }
0x4: {  	_ = 	snop  }
0x5: {  	_ = 	snop  }
0x6: {  	_ = 	snop  }
0x7: {  	_ = 	snop  }
__scs_overlays_trampoline_lowered:
0x8: {  	[smem:$0x3FAC] =	sst s0  }
0x9: {  	[smem:$0x3FAD] =	sst s1  }
0xa: {  	[smem:$0x3FAE] =	sst s2  }
0xb: {  	[smem:$0x3FAF] =	sst s3  }
0xc: {  	[smem:$0x3FB0] =	sst s4  }
0xd: {  	[smem:$0x3FB1] =	sst s5  }
0xe: {  	[smem:$0x3FB2] =	sst s6  }
0xf: {  	[smem:$0x3FB3] =	sst s7  }
0x10: {  	[smem:$0x3FB4] =	sst s8  }
0x11: {  	[smem:$0x3FB5] =	sst s9;
	s0 =	simm.s32 @!p0 $0x0  }
0x12: {  	s1 =	sld [smem:$0x3F9B];
	s0 =	simm.s32 @p0 $0x1  }
0x13: {  	[smem:$0x3FB6] =	sst s0;
	s0 =	simm.s32 @!p1 $0x0  }
0x14: {  	s2 =	sld [smem:$0x3F9A];
	s0 =	simm.s32 @p1 $0x1  }
0x15: {  	[smem:$0x3FB7] =	sst s0;
	s0 =	simm.s32 @!p2 $0x0  }
0x16: {  	s3 =	sld [smem:$0x3FDB];
	s0 =	simm.s32 @p2 $0x1  }
0x17: {  	s4 =	simm.s32 $0x1BF5;
	[smem:$0x3FB9] =	sst s0  }
0x18: {  	s0 =	sld [smem:$0x3F9C];
	_ =	swait.ge [sflag:s4], $0x0  }
0x19: {  	s7 =	sld [smem:$0x3F9D]  }
0x1a: {  	s8 =	sadd.s32 $0xFFFFE003, lr  }
0x1b: {  	s9 =	sadd.s32 $0xFFFFFEF7, lr;
	s5 =	simm.s32 $0xFFFFFFFF;
	p2 =	slt.u32 s8, $0xFFFFF086  }
0x1c: {  	p1 =	slt.u32 s9, $0xF7A;
	s5 =	simm.s32 @!p2 $0x0  }
0x1d: {  	s5 =	simm.s32 @p1 $0x1;
	p0 =	seq.s32 s7, s2  }
0x1e: {  	s7 =	smul.u32 @!p0 $0xF7A, s2;
	p2 =	seq.s32 @!p0 s5, $0x0  }
0x1f: {  	s9 =	smul.u32 $0xF7A, s1;
	s8 =	simm.s32 @!p0 $0x1BF5;
	p2 =	por !p2, p0  }
0x20: {  	[sflag:s8] =	ssyncset.s32 @!p0 $0xFFFFF086;
	s6 =	sadd.s32 @!p0 s3, s7;
	s7 =	simm.s32 @!p0 $0x108  }
0x21: {  	s3 =	sadd.s32 s3, s9;
	s6 =	sadd.s32 @!p0 $0x88, s6;
	s7 =	simm.s32 @p2 $0x1082  }
0x22: {  	[simem:s7], [sflag:s8] =	dma.local @!p0 [hbm:s6], $0xF7A  }
0x23: {  	s9 =	sor.u32 $0xD0000000, s2;
	s6 =	simm.s32 $0x108;
	_ =	swait.ge @!p0 [sflag:s8], $0x0  }
0x24: {  	s3 =	sadd.s32 $0x88, s3;
	s6 =	simm.s32 @!p1 $0x1082;
	[sflag:s4] =	ssyncset.s32 $0xFFFFF086  }
0x25: {  	[simem:s6], [sflag:s4] =	dma.local [hbm:s3], $0xF7A  }
0x26: {  	[smem:$0x3F9D] =	sst s1;
	(tag) =	ssettag s2;
	_ =	strace s9  }
0x27: {  	s1 =	sld [smem:$0x3FAD]  }
0x28: {  	s2 =	sld [smem:$0x3FAE]  }
0x29: {  	s4 =	sld [smem:$0x3FB0]  }
0x2a: {  	p0 =	seq.s32 s5, $0x0;
	s5 =	sld [smem:$0x3FB1]  }
0x2b: {  	s6 =	sld [smem:$0x3FB2]  }
0x2c: {  	s7 =	sld [smem:$0x3FB3]  }
0x2d: {  	s3 =	simm.s32 $0x108;
	s8 =	sld [smem:$0x3FB4]  }
0x2e: {  	s3 =	simm.s32 @!p0 $0x1082;
	s9 =	sld [smem:$0x3FB5]  }
0x2f: {  	lr =	sadd.s32 s0, s3;
	s0 =	sld [smem:$0x3FAC]  }
0x30: {  	s3 =	sld [smem:$0x3FAF]  }
0x31: {  	[smem:$0x3FB8] =	sst s10  }
0x32: {  	s10 =	sld [smem:$0x3FB6];
	_ =	sdelay $0x3  }
0x33: {  	p0 =	seq.s32 s10, $0x1;
	s10 =	sld [smem:$0x3FB8];
	_ =	sdelay $0x3  }
0x34: {  	[smem:$0x3FB8] =	sst s10  }
0x35: {  	s10 =	sld [smem:$0x3FB7];
	_ =	sdelay $0x3  }
0x36: {  	p1 =	seq.s32 s10, $0x1;
	s10 =	sld [smem:$0x3FB8];
	_ =	sdelay $0x3  }
0x37: {  	[smem:$0x3FB8] =	sst s10  }
0x38: {  	s10 =	sld [smem:$0x3FB9]  }
0x39: {  	_ = 	snop;
	(pc) =	sbr.ind lr, $3  }
0x3a: {  	_ = 	snop  }
0x3b: {  	_ = 	snop  }
0x3c: {  	p2 =	seq.s32 s10, $0x1;
	s10 =	sld [smem:$0x3FB8]  }
0x3d: {  	_ =	shalt  }
0x3e: {  	_ =	shalt  }
0x3f: {  	_ =	shalt  }
0x40: {  	_ =	shalt  }
0x41: {  	_ =	shalt  }
0x42: {  	_ =	shalt  }
0x43: {  	_ =	shalt  }
0x44: {  	_ =	shalt  }
0x45: {  	_ =	shalt  }
0x46: {  	_ =	shalt  }
0x47: {  	_ =	shalt  }
0x48: {  	_ =	shalt  }
0x49: {  	_ =	shalt  }
0x4a: {  	_ =	shalt  }
0x4b: {  	_ =	shalt  }
0x4c: {  	_ =	shalt  }
0x4d: {  	_ =	shalt  }
0x4e: {  	_ =	shalt  }
0x4f: {  	_ =	shalt  }
0x50: {  	_ =	shalt  }
0x51: {  	_ =	shalt  }
0x52: {  	_ =	shalt  }
0x53: {  	_ =	shalt  }
0x54: {  	_ =	shalt  }
0x55: {  	_ =	shalt  }
0x56: {  	_ =	shalt  }
0x57: {  	_ =	shalt  }
0x58: {  	_ =	shalt  }
0x59: {  	_ =	shalt  }
0x5a: {  	_ =	shalt  }
0x5b: {  	_ =	shalt  }
0x5c: {  	_ =	shalt  }
0x5d: {  	_ =	shalt  }
0x5e: {  	_ =	shalt  }
0x5f: {  	_ =	shalt  }
0x60: {  	_ =	shalt  }
0x61: {  	_ =	shalt  }
0x62: {  	_ =	shalt  }
0x63: {  	_ =	shalt  }
0x64: {  	_ =	shalt  }
0x65: {  	_ =	shalt  }
0x66: {  	_ =	shalt  }
0x67: {  	_ =	shalt  }
0x68: {  	_ =	shalt  }
0x69: {  	_ =	shalt  }
0x6a: {  	_ =	shalt  }
0x6b: {  	_ =	shalt  }
0x6c: {  	_ =	shalt  }
0x6d: {  	_ =	shalt  }
0x6e: {  	_ =	shalt  }
0x6f: {  	_ =	shalt  }
0x70: {  	_ =	shalt  }
0x71: {  	_ =	shalt  }
0x72: {  	_ =	shalt  }
0x73: {  	_ =	shalt  }
0x74: {  	_ =	shalt  }
0x75: {  	_ =	shalt  }
0x76: {  	_ =	shalt  }
0x77: {  	_ =	shalt  }
0x78: {  	_ =	shalt  }
0x79: {  	_ =	shalt  }
0x7a: {  	_ =	shalt  }
0x7b: {  	_ =	shalt  }
0x7c: {  	_ =	shalt  }
0x7d: {  	_ =	shalt  }
0x7e: {  	_ =	shalt  }
0x7f: {  	_ =	shalt  }
0x80: {  	_ =	shalt  }
0x81: {  	_ =	shalt  }
0x82: {  	_ =	shalt  }
0x83: {  	_ =	shalt  }
0x84: {  	_ =	shalt  }
0x85: {  	_ =	shalt  }
0x86: {  	_ =	shalt  }
0x87: {  	_ =	shalt  }
.Lfunc_end0:
.L_simem_size_0:
called_computation_lowered:
.L_overlay_start_0:
0x88: {  	s2 =	sld [smem:$0x3FD9]  }
0x89: {  	s3 =	sld [smem:$0x3FFE];
	_ =	sdelay $0x1  }
0x8a: {  	s1 =	srdreg.scid  }
0x8b: {  	s0 =	sand.u32 $0x1, s1  }
0x8c: {  	s17 =	sshll.u32 s0, $0xA;
	s2 =	sadd.s32 s3, s2  }
0x8d: {  	s2 =	sadd.s32 s2, s17  }
0x8e: {  	[smem:$0x3FC4] =	sst s2  }
0x8f: {  	_ = 	snop  }
0x90: {  	s2 =	sld [smem:$0x3FD0];
	(tm) =	ssettm $0x1  }
0x91: {  	s18 =	sld [smem:$0x3FFB];
	_ =	sdelay $0x3  }
0x92: {  	_ =	strace s18  }
0x93: {  	s3 =	sld [smem:$0x3FFC];
	_ =	sdelay $0x3  }
0x94: {  	_ =	strace s3  }
0x95: {  	s3 =	sld [smem:$0x3FFD];
	_ =	sdelay $0x3  }
0x96: {  	_ =	strace s3  }
0x97: {  	_ =	strace $0x8FFFFFFF  }
0x98: {  	s19 =	sld [smem:$0x3FDB];
	_ =	sdelay $0x1  }
0x99: {  	s4 =	simm.s32 $_scs_section_size  }
0x9a: {  	s5 =	simm.s32 $_size__tile_overlayer_lowered;
	s6 =	simm.s32 $_tile_overlayer_lowered  }
0x9b: {  	s22 =	simm.s32 $0x1BFF;
	s21 =	sshll.u32 s6, $0x1;
	s3 =	sadd.s32 s4, s19  }
0x9c: {  	s7 =	simm.s32 $0x0;
	s20 =	sshll.u32 s5, $0x1;
	s5 =	sadd.s32 s21, s3  }
0x9d: {  	[timem:s7], [sflag:s22] =	dma.local [hbm:s5], s20  }
0x9e: {  	_ =	swait.ge [sflag:s22], s20  }
0x9f: {  	s4 =	ssub.s32 $0x0, s20;
	[sflag:s22] =	ssyncset.done $0x0  }
0xa0: {  	[sflag:s22] =	ssyncadd.s32 s4;
	_ =	sdelay $0x1  }
0xa1: {  	s23 =	simm.s32 $0x1B8B  }
0xa2: {  	_ =	swait.ge [sflag:s23], $0x1  }
0xa3: {  	[sflag:s23] =	ssyncset.done $0x0  }
0xa4: {  	s25 =	simm.s32 $0x1B8E;
	s24 =	sld [smem:$0x3FFE];
	[sflag:s23] =	ssyncadd.s32 $0xFFFFFFFF  }
0xa5: {  	s26 =	simm.s32 $execute0_lowered;
	[smem:$0x3FD2] =	sst s25  }
0xa6: {  	s5 =	sshll.u32 s26, $0x1;
	_ =	strace $0x80000046;
	[dreg:$0x1] =	wrdreg $0xFFFFFFFF  }
0xa7: {  	s28 =	simm.s32 $_size_execute0_lowered;
	s3 =	sadd.s32 s3, s5;
	[dreg:$0x0] =	wrdreg $0x0  }
0xa8: {  	s5 =	sshll.u32 s28, $0x1;
	[dreg:$0x2] =	wrdreg s3  }
0xa9: {  	[dreg:$0x3] =	wrdreg s5  }
0xaa: {  	[dreg:$0x4] =	wrdreg $0xC0  }
0xab: {  	_ =	task [dreg:s7], $0x5FFFF  }
0xac: {  	[dreg:$0x1] =	wrdreg $0xFFFFFFFF  }
0xad: {  	[dreg:$0x0] =	wrdreg $0x60  }
0xae: {  	[dreg:$0x2] =	wrdreg s2  }
0xaf: {  	[dreg:$0x3] =	wrdreg s24  }
0xb0: {  	[dreg:$0x4] =	wrdreg $0x17000  }
0xb1: {  	[dreg:$0x5] =	wrdreg $0x9  }
0xb2: {  	_ =	task.clear_ibuf [dreg:s7], $0x6FFFF;
	_ =	strace $0x90000046  }
0xb3: {  	s29 =	simm.s32 $0x9;
	_ =	strace $0x80000048  }
0xb4: {  	_ =	swait.ge [sflag:s29], $0x1  }
0xb5: {  	[sflag:s29] =	ssyncadd.s32 $0xFFFFFFFF  }
0xb6: {  	_ =	strace $0x90000048  }
0xb7: {  	_ =	sfence  }
0xb8: {  	s30 =	sld [smem:$0x0];
	_ =	sdelay $0x2  }
0xb9: {  	s31 =	sshll.u32 s1, $0xD;
	s1 =	sshrl.u32 s1, $0x2  }
0xba: {  	s3 =	sand.u32 $0x4000, s31;
	s1 =	sadd.s32 s1, s30  }
0xbb: {  	s0 =	sor.u32 s3, s0;
	s1 =	sshll.u32 s1, $0x11  }
0xbc: {  	s0 =	sor.u32 s1, s0  }
0xbd: {  	s0 =	sadd.s32 $0x8F2B, s0  }
0xbe: {  	[sflag:s0] =	ssyncadd.remote.s32 $0x1  }
0xbf: {  	_ =	sfence.sel $0xFFFF  }
0xc0: {  	[dreg:$0x0] =	wrdreg $0xFFFFFFFF;
	(pc) =	sbr.abs _section_cstart, $3  }
0xc1: {  	[dreg:$0x1] =	wrdreg $0xFFFFFFFF  }
0xc2: {  	_ =	task.clear_ibuf [dreg:s7], $0x2FFFF;
	_ =	strace $0x9FFFFFFF  }
0xc3: {  	(tm) =	ssettm $0x7FFFFFFF  }
tec
execute0_lowered:
.L_overlay_start_1:
0x0: {  	(tag) =	ssettag $0x1  }
0x1: {  	s1 =	rddreg [dreg:$0x0]  }
0x2: {  	s6 =	rddreg [dreg:$0x1]  }
0x3: {  	s3 =	rddreg [dreg:$0x2];
	s4 =	srdreg.scid  }
0x4: {  	s0 =	rddreg [dreg:$0x3];
	s2 =	stileid.u32;
	s11 =	simm.s32 $0x190  }
0x5: {  	s12 =	simm.s32 $0x1;
	s13 =	simm.s32 $0x1600;
	s14 =	simm.s32 $0x0  }
0x6: {  	s7 =	sand.u32 $0x1, s4;
	s4 =	simm.s32 $0x0;
	s8 =	sshll.u32 s2, $0x8  }
0x7: {  	s31 =	sshll.u32 s2, $0x4;
	s5 =	sshll.u32 s7, $0x7;
	s7 =	ssub.s32 $0x2, s7  }
0x8: {  	[smem:$0x7FF] =	sst s4;
	s9 =	sor.u32 s5, s8;
	s10 =	sshrl.u32 s7, $0x1  }
0x9: {  	_ =	strace $0x80000047;
	s9 =	sshrl.u32 s9, $0x3;
	s10 =	ssub.s32 s7, s10  }
0xa: {  	s7 =	sadd.s32 s31, s3;
	s9 =	sadd.s32 s9, s6;
	s6 =	sor.u32 $0x10, s8  }
0xb: {  	v0 =	vimm.f32 $0.0e+00;
	v1 =	vlaneseq.u32;
	s10 =	smax.u32 s10, $0x1;
	s8 =	sadd.s32 $0x400, s9;
	s9 =	sadd.s32 $0x1480, s5  }
.LBB2_1:
0xc: {  	[tilespmem:$0x0] =	vst v0  }
0xd: {  	[tilespmem:$0x10] =	vst v0  }
0xe: {  	[tilespmem:$0x20] =	vst v0  }
0xf: {  	[tilespmem:$0x30] =	vst v0  }
0x10: {  	[tilespmem:$0x40] =	vst v0  }
0x11: {  	[tilespmem:$0x50] =	vst v0  }
0x12: {  	[tilespmem:$0x60] =	vst v0  }
0x13: {  	[tilespmem:$0x70] =	vst v0  }
0x14: {  	[tilespmem:$0x80] =	vst v0  }
0x15: {  	[tilespmem:$0x90] =	vst v0  }
0x16: {  	[tilespmem:$0xA0] =	vst v0  }
0x17: {  	[tilespmem:$0xB0] =	vst v0  }
0x18: {  	[tilespmem:$0xC0] =	vst v0  }
0x19: {  	[tilespmem:$0xD0] =	vst v0  }
0x1a: {  	[tilespmem:$0xE0] =	vst v0  }
0x1b: {  	[tilespmem:$0xF0] =	vst v0  }
0x1c: {  	[tilespmem:$0x100] =	vst v0  }
0x1d: {  	[tilespmem:$0x110] =	vst v0  }
0x1e: {  	[tilespmem:$0x120] =	vst v0  }
0x1f: {  	[tilespmem:$0x130] =	vst v0  }
0x20: {  	[tilespmem:$0x140] =	vst v0  }
0x21: {  	[tilespmem:$0x150] =	vst v0  }
0x22: {  	[tilespmem:$0x160] =	vst v0  }
0x23: {  	[tilespmem:$0x170] =	vst v0  }
0x24: {  	[tilespmem:$0x180] =	vst v0  }
0x25: {  	[tilespmem:s11], [sflag:$0x1] =	stream.linear.gather [hbm4b:s1+s4], $0x1000, $0x38;
	[tilespmem:$0x1710] =	vst v63  }
0x26: {  	_ =	swait.ge [sflag:s12], $0x1000  }
0x27: {  	[sflag:s12] =	ssyncset.done $0x0  }
0x28: {  	[sflag:s12] =	ssyncadd.s32 $0xFFFFF000  }
0x29: {  	v2 =	vld [tilespmem:s6+$0x0]  }
0x2a: {  	v3 =	vld [tilespmem:s6+$0xFFFFFFFF]  }
0x2b: {  	v4 =	vld [tilespmem:s6+$0xFFFFFFFE]  }
0x2c: {  	s15 =	sand.u32 $0x30, s4;
	v5 =	vld [tilespmem:s6+$0xFFFFFFFD]  }
0x2d: {  	v6 =	vmov s15;
	v7 =	vld [tilespmem:s6+$0xFFFFFFFC]  }
0x2e: {  	v8 =	vor.u32 s15, v1;
	vm0 =	veq.s32 v6, v1;
	v63 =	vld [tilespmem:s6+$0xFFFFFFFB]  }
0x2f: {  	vm11 =	vgt.u32 v8, $0x1;
	v9 =	vld [tilespmem:s6+$0xFFFFFFFA];
	v3 =	vsel vm0, $0x0, v3  }
0x30: {  	vm12 =	vgt.u32 v8, $0x2;
	v2 =	vmax.f32 v2, v3;
	v3 =	vnsel vm11, $0x0, v4  }
0x31: {  	vm13 =	vgt.u32 v8, $0x3;
	v2 =	vmax.f32 v2, v3;
	v3 =	vnsel vm12, $0x0, v5  }
0x32: {  	vm14 =	vgt.u32 v8, $0x4;
	v2 =	vmax.f32 v2, v3;
	v3 =	vnsel vm13, $0x0, v7  }
0x33: {  	vm15 =	vgt.u32 v8, $0x5;
	v2 =	vmax.f32 v2, v3;
	v3 =	vnsel vm14, $0x0, v63  }
0x34: {  	v2 =	vmax.f32 v2, v3;
	v3 =	vnsel vm15, $0x0, v9  }
0x35: {  	s15 =	simm.s32 $0x1200;
	v2 =	vmax.f32 v2, v3  }
0x36: {  	s16 =	sadd.s32 $0x10, s6;
	[tilespmem:s15+$0x0] =	vst v2  }
0x37: {  	v2 =	vld [tilespmem:s16+$0x0]  }
0x38: {  	s17 =	simm.s32 $0x10;
	s18 =	simm.s32 $0x20;
	v3 =	vld [tilespmem:s16+$0xFFFFFFFF]  }
.LBB2_2:
0x39: {  	p0 =	sne.s32 s18, $0x270;
	v4 =	vld [tilespmem:s16+$0xFFFFFFFE]  }
0x3a: {  	s19 =	sand.u32 $0x30, s17;
	s17 =	smov.u32 s18;
	v5 =	vld [tilespmem:s16+$0xFFFFFFFD]  }
0x3b: {  	v6 =	vmov s19;
	v7 =	vld [tilespmem:s16+$0xFFFFFFFC]  }
0x3c: {  	v8 =	vor.u32 s19, v1;
	vm0 =	veq.s32 v6, v1;
	v6 =	vld [tilespmem:s16+$0xFFFFFFFB]  }
0x3d: {  	v3 =	vsel vm0, $0x0, v3;
	vm0 =	vgt.u32 v8, $0x1;
	v9 =	vld [tilespmem:s16+$0xFFFFFFFA]  }
0x3e: {  	v2 =	vmax.f32 v2, v3;
	v3 =	vnsel vm0, $0x0, v4;
	vm0 =	vgt.u32 v8, $0x2  }
0x3f: {  	v2 =	vmax.f32 v2, v3;
	v3 =	vnsel vm0, $0x0, v5;
	vm0 =	vgt.u32 v8, $0x3  }
0x40: {  	v2 =	vmax.f32 v2, v3;
	v3 =	vnsel vm0, $0x0, v7;
	vm0 =	vgt.u32 v8, $0x4  }
0x41: {  	v2 =	vmax.f32 v2, v3;
	v3 =	vnsel vm0, $0x0, v6;
	vm0 =	vgt.u32 v8, $0x5  }
.Ltmp0:
0x42: {  	v2 =	vmax.f32 v2, v3;
	v3 =	vnsel vm0, $0x0, v9;
	(pc) =	sbr.rel @p0 .LBB2_2-.Ltmp0, $4  }
0x43: {  	s15 =	sadd.s32 $0x10, s15;
	v2 =	vmax.f32 v2, v3  }
0x44: {  	s16 =	sadd.s32 $0x10, s16;
	[tilespmem:s15+$0x0] =	vst v2  }
0x45: {  	v2 =	vld [tilespmem:s16+$0x0]  }
0x46: {  	s18 =	sadd.s32 $0x10, s18;
	v3 =	vld [tilespmem:s16+$0xFFFFFFFF]  }
0x47: {  	v4 =	vld [tilespmem:s16+$0xFFFFFFFE]  }
0x48: {  	s17 =	sand.u32 $0x30, s17;
	v5 =	vld [tilespmem:s16+$0xFFFFFFFD]  }
0x49: {  	v7 =	vld [tilespmem:s16+$0xFFFFFFFC];
	v6 =	vmov s17  }
0x4a: {  	v61 =	vld [tilespmem:s16+$0xFFFFFFFB];
	v8 =	vor.u32 s17, v1;
	vm0 =	veq.s32 v6, v1  }
0x4b: {  	v9 =	vld [tilespmem:s16+$0xFFFFFFFA];
	vm11 =	vgt.u32 v8, $0x1;
	v3 =	vsel vm0, $0x0, v3  }
0x4c: {  	vm12 =	vgt.u32 v8, $0x2;
	v2 =	vmax.f32 v2, v3;
	v3 =	vnsel vm11, $0x0, v4  }
0x4d: {  	vm13 =	vgt.u32 v8, $0x3;
	v2 =	vmax.f32 v2, v3;
	v3 =	vnsel vm12, $0x0, v5  }
0x4e: {  	vm14 =	vgt.u32 v8, $0x4;
	v2 =	vmax.f32 v2, v3;
	v3 =	vnsel vm13, $0x0, v7  }
0x4f: {  	vm15 =	vgt.u32 v8, $0x5;
	v2 =	vmax.f32 v2, v3;
	v3 =	vnsel vm14, $0x0, v61  }
0x50: {  	v2 =	vmax.f32 v2, v3;
	v3 =	vnsel vm15, $0x0, v9  }
0x51: {  	s15 =	sadd.s32 $0x10, s15;
	v2 =	vmax.f32 v2, v3  }
0x52: {  	s29 =	simm.s32 $0x0;
	s30 =	simm.s32 $0x12C0;
	[tilespmem:s15+$0x0] =	vst v2  }
0x53: {  	s15 =	sand.u32 $0xF0, s29;
	v2 =	vld [tilespmem:s30+$0x80]  }
0x54: {  	v3 =	vld [tilespmem:s15+$0x1380]  }
0x55: {  	v4 =	vld [tilespmem:s15+$0x1300]  }
0x56: {  	v5 =	vld [tilespmem:s30+$0x0]  }
0x57: {  	v62 =	vld [tilespmem:s15+$0x1280]  }
0x58: {  	v63 =	vld [tilespmem:s30+$0xFFFFFF80]  }
0x59: {  	v2 =	vmax.f32 v3, v2;
	v3 =	vld [tilespmem:s30+$0xFFFFFF40]  }
0x5a: {  	v2 =	vmax.f32 v2, v4  }
0x5b: {  	v2 =	vmax.f32 v2, v5  }
0x5c: {  	v2 =	vmax.f32 v2, v62  }
0x5d: {  	v2 =	vmax.f32 v2, v63  }
0x5e: {  	v2 =	vmax.f32 v2, v3  }
0x5f: {  	v2 =	vsub.f32 $1.000000000e+00, v2  }
0x60: {  	s15 =	simm.s32 $0x1480  }
0x61: {  	s31 =	simm.s32 $0x10;
	s16 =	simm.s32 $0x12D0;
	v3 =	vimm.f32 $0.0e+00;
	[tilespmem:s15+$0x0] =	vst v2  }
0x62: {  	s18 =	sand.u32 $0xF0, s31;
	s17 =	simm.s32 $0x20;
	v2 =	vadd.f32 v2, v3;
	v3 =	vld [tilespmem:s16+$0x80]  }
.LBB2_4:
0x63: {  	p0 =	sne.s32 s17, $0xF0;
	v4 =	vld [tilespmem:s18+$0x1380]  }
0x64: {  	v5 =	vld [tilespmem:s18+$0x1300]  }
0x65: {  	v6 =	vld [tilespmem:s16+$0x0]  }
0x66: {  	v7 =	vld [tilespmem:s18+$0x1280]  }
0x67: {  	v8 =	vld [tilespmem:s16+$0xFFFFFF80]  }
0x68: {  	v3 =	vmax.f32 v4, v3;
	v4 =	vld [tilespmem:s16+$0xFFFFFF40]  }
0x69: {  	v3 =	vmax.f32 v3, v5  }
0x6a: {  	v3 =	vmax.f32 v3, v6  }
0x6b: {  	v3 =	vmax.f32 v3, v7  }
0x6c: {  	v3 =	vmax.f32 v3, v8  }
.Ltmp1:
0x6d: {  	v3 =	vmax.f32 v3, v4;
	(pc) =	sbr.rel @p0 .LBB2_4-.Ltmp1, $4  }
0x6e: {  	v3 =	vsub.f32 $1.000000000e+00, v3  }
0x6f: {  	s15 =	sadd.s32 $0x10, s15  }
0x70: {  	s16 =	sadd.s32 $0x10, s16;
	[tilespmem:s15+$0x0] =	vst v3;
	v2 =	vadd.f32 v3, v2  }
0x71: {  	s18 =	sand.u32 $0xF0, s17;
	s17 =	sadd.s32 $0x10, s17;
	v3 =	vld [tilespmem:s16+$0x80]  }
0x72: {  	v4 =	vld [tilespmem:s18+$0x1380]  }
0x73: {  	v5 =	vld [tilespmem:s18+$0x1300]  }
0x74: {  	v6 =	vld [tilespmem:s16+$0x0]  }
0x75: {  	v7 =	vld [tilespmem:s18+$0x1280]  }
0x76: {  	v8 =	vld [tilespmem:s16+$0xFFFFFF80]  }
0x77: {  	v39 =	vld [tilespmem:s16+$0xFFFFFF40];
	v3 =	vmax.f32 v4, v3  }
0x78: {  	v3 =	vmax.f32 v3, v5  }
0x79: {  	v3 =	vmax.f32 v3, v6  }
0x7a: {  	v3 =	vmax.f32 v3, v7  }
0x7b: {  	v3 =	vmax.f32 v3, v8  }
0x7c: {  	v3 =	vmax.f32 v3, v39  }
0x7d: {  	v3 =	vsub.f32 $1.000000000e+00, v3;
	_ =	sdelay $0x1  }
0x7e: {  	s15 =	sadd.s32 $0x10, s15;
	v2 =	vadd.f32 v3, v2  }
0x7f: {  	[tilespmem:s15+$0x0] =	vst v3  }
0x80: {  	[tilespmem:$0x1600] =	vst v2  }
0x81: {  	[spmem:s7] =	stream.linear.scatter [tilespmem:s13], [sflag:$0x1], $0x10, $0x38;
	[tilespmem:$0x1710] =	vst v63  }
0x82: {  	_ =	swait.ge [sflag:s12], $0x10  }
0x83: {  	[sflag:s12] =	ssyncset.done $0x0  }
0x84: {  	[sflag:s12] =	ssyncadd.s32 $0xFFFFFFF0  }
0x85: {  	[bflag:$0x0] =	sbarrier.arrive $0xFFFF  }
0x86: {  	[tilespmem:s13], [sflag:$0x1] =	stream.linear.gather [spmem:s3], $0x100, $0x38;
	[tilespmem:$0x1710] =	vst v63  }
0x87: {  	_ =	swait.ge [sflag:s12], $0x100  }
0x88: {  	[sflag:s12] =	ssyncset.done $0x0  }
0x89: {  	[sflag:s12] =	ssyncadd.s32 $0xFFFFFF00  }
0x8a: {  	v2 =	vld [tilespmem:$0x1600];
	_ =	sdelay $0x1  }
0x8b: {  	v3 =	vld [tilespmem:$0x1610];
	_ =	sdelay $0x1  }
0x8c: {  	v40 =	vld [tilespmem:$0x1620]  }
0x8d: {  	v2 =	vadd.f32 $0.0e+00, v2  }
0x8e: {  	v41 =	vld [tilespmem:$0x1630]  }
0x8f: {  	v2 =	vadd.f32 v3, v2  }
0x90: {  	v3 =	vld [tilespmem:$0x1640]  }
0x91: {  	v2 =	vadd.f32 v40, v2  }
0x92: {  	v42 =	vld [tilespmem:$0x1650]  }
0x93: {  	v2 =	vadd.f32 v41, v2  }
0x94: {  	v43 =	vld [tilespmem:$0x1660]  }
0x95: {  	v2 =	vadd.f32 v3, v2  }
0x96: {  	v3 =	vld [tilespmem:$0x1670]  }
0x97: {  	v2 =	vadd.f32 v42, v2  }
0x98: {  	v44 =	vld [tilespmem:$0x1680]  }
0x99: {  	v2 =	vadd.f32 v43, v2  }
0x9a: {  	v45 =	vld [tilespmem:$0x1690]  }
0x9b: {  	v2 =	vadd.f32 v3, v2  }
0x9c: {  	v3 =	vld [tilespmem:$0x16A0]  }
0x9d: {  	v2 =	vadd.f32 v44, v2  }
0x9e: {  	v46 =	vld [tilespmem:$0x16B0]  }
0x9f: {  	v2 =	vadd.f32 v45, v2  }
0xa0: {  	v47 =	vld [tilespmem:$0x16C0]  }
0xa1: {  	v2 =	vadd.f32 v3, v2  }
0xa2: {  	v3 =	vld [tilespmem:$0x16D0]  }
0xa3: {  	v2 =	vadd.f32 v46, v2  }
0xa4: {  	v48 =	vld [tilespmem:$0x16E0]  }
0xa5: {  	v2 =	vadd.f32 v47, v2  }
0xa6: {  	v49 =	vld [tilespmem:$0x16F0]  }
0xa7: {  	v2 =	vadd.f32 v3, v2;
	_ =	sdelay $0x1  }
0xa8: {  	v2 =	vadd.f32 v48, v2;
	_ =	sdelay $0x1  }
0xa9: {  	v2 =	vadd.f32 v49, v2  }
0xaa: {  	[tilespmem:$0x1580] =	vst v0  }
0xab: {  	[tilespmem:$0x1590] =	vst v2  }
0xac: {  	v3 =	vld [tilespmem:$0x1588];
	_ =	sdelay $0x4  }
0xad: {  	v3 =	vadd.f32 v3, v2;
	_ =	sdelay $0x1  }
0xae: {  	[tilespmem:$0x1590] =	vst v3  }
0xaf: {  	v50 =	vld [tilespmem:$0x158C];
	_ =	sdelay $0x4  }
0xb0: {  	v3 =	vadd.f32 v50, v3;
	_ =	sdelay $0x1  }
0xb1: {  	[tilespmem:$0x1590] =	vst v3  }
0xb2: {  	v51 =	vld [tilespmem:$0x158E];
	_ =	sdelay $0x4  }
0xb3: {  	v3 =	vadd.f32 v51, v3  }
0xb4: {  	[tilespmem:$0x15A0] =	vst v0  }
0xb5: {  	[tilespmem:$0x1590] =	vst v3  }
0xb6: {  	v52 =	vld [tilespmem:$0x158F];
	[tilespmem:$0x1590] =	vst v2  }
0xb7: {  	v53 =	vld [tilespmem:$0x1598];
	_ =	sdelay $0x4  }
0xb8: {  	v5 =	vadd.f32 v53, v2;
	_ =	sdelay $0x1  }
0xb9: {  	[tilespmem:$0x1590] =	vst v5  }
0xba: {  	v54 =	vld [tilespmem:$0x1594];
	_ =	sdelay $0x4  }
0xbb: {  	v5 =	vadd.f32 v54, v5;
	_ =	sdelay $0x1  }
0xbc: {  	[tilespmem:$0x1590] =	vst v5  }
0xbd: {  	v55 =	vld [tilespmem:$0x1592];
	_ =	sdelay $0x4  }
0xbe: {  	v5 =	vadd.f32 v55, v5;
	_ =	sdelay $0x1  }
0xbf: {  	[tilespmem:$0x1590] =	vst v5  }
0xc0: {  	v56 =	vld [tilespmem:$0x1591];
	_ =	sdelay $0x4  }
0xc1: {  	v3 =	vadd.f32 v52, v3;
	v57 =	vadd.f32 v56, v5;
	_ =	sdelay $0x1  }
0xc2: {  	v3 =	vadd.f32 v57, v3;
	_ =	sdelay $0x1  }
0xc3: {  	v2 =	vsub.f32 v3, v2;
	_ =	sdelay $0x1  }
0xc4: {  	(erf) = vrcp.f32 v2;
	_ =	sdelay $0x6  }
0xc5: {  	v2 =	vld [tilespmem:s5+$0x1480]  }
0xc6: {  	v3 =	vld [tilespmem:s5+$0x1490]  }
0xc7: {  	v59 =	vld [tilespmem:s5+$0x14A0];
	v58 =	vpop (erf)  }
0xc8: {  	v60 =	vld [tilespmem:s5+$0x14B0];
	v4 =	vmul.f32 $4.096000000e+03, v58  }
0xc9: {  	v61 =	vld [tilespmem:s5+$0x14C0]  }
0xca: {  	v62 =	vld [tilespmem:s5+$0x14D0];
	v2 =	vmul.f32 v2, v4  }
0xcb: {  	v9 =	vld [tilespmem:s5+$0x14E0];
	v3 =	vmul.f32 v3, v4  }
0xcc: {  	v63 =	vld [tilespmem:s5+$0x14F0];
	[tilespmem:s5+$0x1480] =	vst v2;
	v2 =	vmul.f32 v59, v4  }
0xcd: {  	[tilespmem:s5+$0x1490] =	vst v3;
	v3 =	vmul.f32 v60, v4  }
0xce: {  	[tilespmem:s5+$0x14A0] =	vst v2;
	v2 =	vmul.f32 v61, v4  }
0xcf: {  	[tilespmem:s5+$0x14B0] =	vst v3;
	v3 =	vmul.f32 v62, v4  }
0xd0: {  	[tilespmem:s5+$0x14C0] =	vst v2;
	v2 =	vmul.f32 v9, v4  }
0xd1: {  	s14 =	sadd.s32 $0x1, s14;
	[tilespmem:s5+$0x14D0] =	vst v3;
	v3 =	vmul.f32 v63, v4  }
0xd2: {  	p0 =	sne.s32 s14, s10;
	[tilespmem:s5+$0x14E0] =	vst v2  }
.Ltmp2:
0xd3: {  	[tilespmem:s5+$0x14F0] =	vst v3;
	(pc) =	sbr.rel @p0 .LBB2_1-.Ltmp2, $4  }
0xd4: {  	[hbm4b:s8+s4] =	stream.linear.scatter [tilespmem:s9], [sflag:$0x1], $0x80, $0x38;
	[tilespmem:$0x1710] =	vst v63  }
0xd5: {  	_ =	swait.ge [sflag:s12], $0x80  }
0xd6: {  	[sflag:s12] =	ssyncset.done $0x0  }
0xd7: {  	[sflag:s12] =	ssyncadd.s32 $0xFFFFFF80  }
0xd8: {  	_ =	sfence.sel $0x180000  }
0xd9: {  	[bflag:$0x0] =	sbarrier.arrive $0xFFFF  }
0xda: {  	p0 =	sne.s32 s2, $0x0;
	_ =	strace $0x90000047  }
0xdb: {  	s0 =	sadd.s32 @!p0 $0x100000, s0;
	[bflag:$0x2] =	sbarrier.arrive $0xFFFF  }
0xdc: {  	[sflag:s0] =	ssyncadd.tile.s32 @!p0 $0x1;
	_ =	shalt  }
.Lfunc_end2:
_tile_overlayer_lowered:
.L_overlay_start_2:
0xdd: {  	(tag) =	ssettag $0x2  }
0xde: {  	s0 =	rddreg [dreg:$0x0];
	s2 =	stileid.u32  }
0xdf: {  	s1 =	rddreg [dreg:$0x1];
	p0 =	sne.s32 s2, $0x0  }
0xe0: {  	s3 =	rddreg [dreg:$0x2];
	[bflag:$0x3] =	sbarrier.arrive $0xFFFF;
	s2 =	simm.s32 @!p0 $0x1C01  }
0xe1: {  	[timem:s3], [sflag:s2] =	dma.local @!p0 [hbm:s0], s1  }
0xe2: {  	s0 =	simm.s32 @!p0 $0x1  }
0xe3: {  	_ =	swait.ge @!p0 [sflag:s0], s1  }
0xe4: {  	s1 =	ssub.s32 @!p0 $0x0, s1;
	[sflag:s0] =	ssyncset.done @!p0 $0x0  }
0xe5: {  	[sflag:s0] =	ssyncadd.s32 @!p0 s1  }
0xe6: {  	[bflag:$0x3] =	sbarrier.arrive $0xFFFF  }
0xe7: {  	_ =	shalt  }

</sc_bundles>
